<compile_context>
chip_gen: v7x
topology: tpu7x:2x2x1
jax: 0.10.2.dev20260603
libtpu: 0.0.44.dev20260713+nightly
codegen_flags: <defaults>
</compile_context>

<pallas_src>
import functools

import jax
import jax.numpy as jnp
from jax import lax
from jax.experimental import pallas as pl
from jax.experimental.pallas import tpu as pltpu
from jax.experimental.pallas import tpu_sc as plsc

EMB = 128
CHUNK = 128
NBUF = 4


def _emb_kernel(n_total, table_hbm, idx_hbm, out_hbm,
                idx_all, r0, r1, r2, r3, g0, g1, g2, g3, s0, s1, s2, s3):
    rows = (r0, r1, r2, r3)
    gsem = (g0, g1, g2, g3)
    ssem = (s0, s1, s2, s3)

    nc = lax.axis_size("c")
    wid = lax.axis_index("s") * nc + lax.axis_index("c")
    nw = nc * lax.axis_size("s")
    per_w = n_total // nw
    nchunks = per_w // CHUNK
    base = wid * per_w
    row_base = wid * nchunks

    pltpu.sync_copy(idx_hbm.at[pl.ds(row_base, nchunks)], idx_all)

    def fire_g(c, b):
        pltpu.async_copy(table_hbm.at[idx_all.at[c]], rows[b], gsem[b])

    def drain_g(b):
        pltpu.make_async_copy(
            table_hbm.at[pl.ds(0, CHUNK)], rows[b], gsem[b]).wait()

    def fire_s(c, b):
        pltpu.async_copy(
            rows[b], out_hbm.at[pl.ds(base + c * CHUNK, CHUNK)], ssem[b])

    def drain_s(b):
        pltpu.make_async_copy(
            rows[b], out_hbm.at[pl.ds(base, CHUNK)], ssem[b]).wait()

    for b in range(NBUF):
        fire_g(b, b)

    def body(j, carry):
        c = NBUF * j
        drain_g(0); fire_s(c, 0)
        drain_g(1); fire_s(c + 1, 1)
        drain_s(0); fire_g(c + 4, 0)
        drain_g(2); fire_s(c + 2, 2)
        drain_s(1); fire_g(c + 5, 1)
        drain_g(3); fire_s(c + 3, 3)
        drain_s(2); fire_g(c + 6, 2)
        drain_s(3); fire_g(c + 7, 3)
        return carry

    lax.fori_loop(0, nchunks // NBUF - 1, body, 0)

    last = nchunks - NBUF
    drain_g(0); fire_s(last, 0)
    drain_g(1); fire_s(last + 1, 1)
    drain_g(2); fire_s(last + 2, 2)
    drain_g(3); fire_s(last + 3, 3)
    for b in range(NBUF):
        drain_s(b)


@jax.jit
def kernel(x, table):
    batch, hist = x.shape
    n_total = batch * hist
    idx2d = x.reshape(n_total // CHUNK, CHUNK)
    mesh = plsc.VectorSubcoreMesh(core_axis_name="c", subcore_axis_name="s")
    n_sub = 32
    nchunks_w = n_total // n_sub // CHUNK
    out = pl.kernel(
        functools.partial(_emb_kernel, n_total),
        out_type=jax.ShapeDtypeStruct((n_total, EMB), jnp.float32),
        mesh=mesh,
        scratch_types=(
            [pltpu.VMEM((nchunks_w, CHUNK), jnp.int32)]
            + [pltpu.VMEM((CHUNK, EMB), jnp.float32)] * NBUF
            + [pltpu.SemaphoreType.DMA] * (2 * NBUF)
        ),
    )(table, idx2d)
    return out.reshape(batch, hist, EMB)

# --- scband reference (transcript-rebuilt; emitter-appended) ---
"""Pipeline reference for scband-embedding-11819749998695 (READ-ONLY COPY).

The authoritative reference and input builder live on the scoring server;
editing this copy changes nothing except your own understanding.
"""

import jax, jax.numpy as jnp
import numpy as np

VOCAB = 100000
EMB_DIM = 128
PAD_IDX = 3
BATCH = 4096
HIST = 200


def setup_inputs(seed: int = 0) -> dict:
    key = jax.random.key(seed)
    k1, k2 = jax.random.split(key)
    x = jax.random.randint(k1, (BATCH, HIST), 0, VOCAB, dtype=jnp.int32)
    table = jax.random.normal(k2, (VOCAB, EMB_DIM), dtype=jnp.float32)
    # nn.Embedding with padding_idx initializes that row to zeros
    table = table.at[PAD_IDX].set(0.0)
    return {"x": x, "table": table}


def reference(x, table):
    # Faithful to nn.Embedding(padding_idx=3): the padding row always maps to zeros
    t = table.at[PAD_IDX].set(0.0)
    return jnp.take(t, x, axis=0)

if __name__ == "__main__":
    import jax
    _d = setup_inputs()
    print(jax.jit(kernel)(*tuple(_d.values())))

</pallas_src>

<mosaic_0001>
#map = affine_map<(d0, d1) -> (0, 0)>
module attributes {stable_mosaic.version = 14 : i64} {
  func.func @_emb_kernel(%arg0: i32, %arg1: i32, %arg2: memref<100000x128xf32, #tpu.memory_space<hbm>>, %arg3: memref<6400x128xi32, #tpu.memory_space<hbm>>, %arg4: memref<819200x128xf32, #tpu.memory_space<hbm>>, %arg5: memref<200x128xi32, #tpu.memory_space<vmem>>, %arg6: memref<128x128xf32, #tpu.memory_space<vmem>>, %arg7: memref<128x128xf32, #tpu.memory_space<vmem>>, %arg8: memref<128x128xf32, #tpu.memory_space<vmem>>, %arg9: memref<128x128xf32, #tpu.memory_space<vmem>>, %arg10: memref<!tpu.dma_semaphore, #tpu.memory_space<semaphore_mem>>, %arg11: memref<!tpu.dma_semaphore, #tpu.memory_space<semaphore_mem>>, %arg12: memref<!tpu.dma_semaphore, #tpu.memory_space<semaphore_mem>>, %arg13: memref<!tpu.dma_semaphore, #tpu.memory_space<semaphore_mem>>, %arg14: memref<!tpu.dma_semaphore, #tpu.memory_space<semaphore_mem>>, %arg15: memref<!tpu.dma_semaphore, #tpu.memory_space<semaphore_mem>>, %arg16: memref<!tpu.dma_semaphore, #tpu.memory_space<semaphore_mem>>, %arg17: memref<!tpu.dma_semaphore, #tpu.memory_space<semaphore_mem>>) attributes {dimension_semantics = [#tpu.dimension_semantics<core_parallel>, #tpu.dimension_semantics<subcore_parallel>], iteration_bounds = array<i64: 2, 16>, scalar_prefetch = 0 : i64, scratch_operands = 13 : i64, tpu.core_type = #tpu.core_type<sc_vector_subcore>, window_params = [{transform_indices = #map}, {transform_indices = #map}, {transform_indices = #map}]} {
    %mul3A = arith.constant 2 : i32
    %mul3A_0 = arith.muli %arg1, %mul3A : i32
    %add3A = arith.addi %mul3A_0, %arg0 : i32
    %mul3A_1 = arith.constant 25600 : i32
    %mul3A_2 = arith.muli %add3A, %mul3A_1 : i32
    %mul3A_3 = arith.constant 200 : i32
    %mul3A_4 = arith.muli %add3A, %mul3A_3 : i32
    "tpu.region"() ({
      %run_scoped3A = tpu.sem_alloc : memref<!tpu.dma_semaphore, #tpu.memory_space<semaphore_mem>>
      %dma_start3A_100 = arith.constant 0 : i32
      %dma_start3A_101 = tpu.memref_slice %arg3[%mul3A_4, %dma_start3A_100] : memref<6400x128xi32, #tpu.memory_space<hbm>> -> memref<200x128xi32, #tpu.memory_space<hbm>>
      %dma_start3A_102 = arith.constant 0 : i32
      %dma_start3A_103 = tpu.memref_slice %arg3[%mul3A_4, %dma_start3A_102] : memref<6400x128xi32, #tpu.memory_space<hbm>> -> memref<200x128xi32, #tpu.memory_space<hbm>>
      tpu.enqueue_dma source(%dma_start3A_103 : memref<200x128xi32, #tpu.memory_space<hbm>>) target(%arg5 : memref<200x128xi32, #tpu.memory_space<vmem>>) target_semaphore(%run_scoped3A : memref<!tpu.dma_semaphore, #tpu.memory_space<semaphore_mem>>)
      %dma_wait3A_104 = arith.constant 0 : i32
      %dma_wait3A_105 = tpu.memref_slice %arg3[%mul3A_4, %dma_wait3A_104] : memref<6400x128xi32, #tpu.memory_space<hbm>> -> memref<200x128xi32, #tpu.memory_space<hbm>>
      %dma_wait3A_106 = arith.constant 0 : i32
      %dma_wait3A_107 = tpu.memref_slice %arg3[%mul3A_4, %dma_wait3A_106] : memref<6400x128xi32, #tpu.memory_space<hbm>> -> memref<200x128xi32, #tpu.memory_space<hbm>>
      tpu.wait_dma2 semaphore(%run_scoped3A : memref<!tpu.dma_semaphore, #tpu.memory_space<semaphore_mem>>) src(%dma_wait3A_107 : memref<200x128xi32, #tpu.memory_space<hbm>>) dst(%arg5 : memref<200x128xi32, #tpu.memory_space<vmem>>)
      tpu.yield
    }) : () -> ()
    %dma_start3A = arith.constant 0 : i32
    %dma_start3A_5 = arith.constant 0 : i32
    %dma_start3A_6 = tpu.memref_slice %arg5[%dma_start3A, %dma_start3A_5] : memref<200x128xi32, #tpu.memory_space<vmem>> -> memref<1x128xi32, #tpu.memory_space<vmem>>
    %dma_start3A_7 = tpu.memref_squeeze %dma_start3A_6 : memref<1x128xi32, #tpu.memory_space<vmem>> -> memref<128xi32, #tpu.memory_space<vmem>>
    %dma_start3A_8 = arith.constant 0 : i32
    %dma_start3A_9 = arith.constant 0 : i32
    %dma_start3A_10 = tpu.memref_slice %arg2[%dma_start3A_8, %dma_start3A_9] : memref<100000x128xf32, #tpu.memory_space<hbm>> -> memref<100000x128xf32, #tpu.memory_space<hbm>>
    tpu.enqueue_indirect_dma source(%dma_start3A_10 : memref<100000x128xf32, #tpu.memory_space<hbm>>) target(%arg6 : memref<128x128xf32, #tpu.memory_space<vmem>>) offsets(%dma_start3A_7 : memref<128xi32, #tpu.memory_space<vmem>>) semaphore(%arg10 : memref<!tpu.dma_semaphore, #tpu.memory_space<semaphore_mem>>)
    %dma_start3A_11 = arith.constant 1 : i32
    %dma_start3A_12 = arith.constant 0 : i32
    %dma_start3A_13 = tpu.memref_slice %arg5[%dma_start3A_11, %dma_start3A_12] : memref<200x128xi32, #tpu.memory_space<vmem>> -> memref<1x128xi32, #tpu.memory_space<vmem>>
    %dma_start3A_14 = tpu.memref_squeeze %dma_start3A_13 : memref<1x128xi32, #tpu.memory_space<vmem>> -> memref<128xi32, #tpu.memory_space<vmem>>
    %dma_start3A_15 = arith.constant 0 : i32
    %dma_start3A_16 = arith.constant 0 : i32
    %dma_start3A_17 = tpu.memref_slice %arg2[%dma_start3A_15, %dma_start3A_16] : memref<100000x128xf32, #tpu.memory_space<hbm>> -> memref<100000x128xf32, #tpu.memory_space<hbm>>
    tpu.enqueue_indirect_dma source(%dma_start3A_17 : memref<100000x128xf32, #tpu.memory_space<hbm>>) target(%arg7 : memref<128x128xf32, #tpu.memory_space<vmem>>) offsets(%dma_start3A_14 : memref<128xi32, #tpu.memory_space<vmem>>) semaphore(%arg11 : memref<!tpu.dma_semaphore, #tpu.memory_space<semaphore_mem>>)
    %dma_start3A_18 = arith.constant 2 : i32
    %dma_start3A_19 = arith.constant 0 : i32
    %dma_start3A_20 = tpu.memref_slice %arg5[%dma_start3A_18, %dma_start3A_19] : memref<200x128xi32, #tpu.memory_space<vmem>> -> memref<1x128xi32, #tpu.memory_space<vmem>>
    %dma_start3A_21 = tpu.memref_squeeze %dma_start3A_20 : memref<1x128xi32, #tpu.memory_space<vmem>> -> memref<128xi32, #tpu.memory_space<vmem>>
    %dma_start3A_22 = arith.constant 0 : i32
    %dma_start3A_23 = arith.constant 0 : i32
    %dma_start3A_24 = tpu.memref_slice %arg2[%dma_start3A_22, %dma_start3A_23] : memref<100000x128xf32, #tpu.memory_space<hbm>> -> memref<100000x128xf32, #tpu.memory_space<hbm>>
    tpu.enqueue_indirect_dma source(%dma_start3A_24 : memref<100000x128xf32, #tpu.memory_space<hbm>>) target(%arg8 : memref<128x128xf32, #tpu.memory_space<vmem>>) offsets(%dma_start3A_21 : memref<128xi32, #tpu.memory_space<vmem>>) semaphore(%arg12 : memref<!tpu.dma_semaphore, #tpu.memory_space<semaphore_mem>>)
    %dma_start3A_25 = arith.constant 3 : i32
    %dma_start3A_26 = arith.constant 0 : i32
    %dma_start3A_27 = tpu.memref_slice %arg5[%dma_start3A_25, %dma_start3A_26] : memref<200x128xi32, #tpu.memory_space<vmem>> -> memref<1x128xi32, #tpu.memory_space<vmem>>
    %dma_start3A_28 = tpu.memref_squeeze %dma_start3A_27 : memref<1x128xi32, #tpu.memory_space<vmem>> -> memref<128xi32, #tpu.memory_space<vmem>>
    %dma_start3A_29 = arith.constant 0 : i32
    %dma_start3A_30 = arith.constant 0 : i32
    %dma_start3A_31 = tpu.memref_slice %arg2[%dma_start3A_29, %dma_start3A_30] : memref<100000x128xf32, #tpu.memory_space<hbm>> -> memref<100000x128xf32, #tpu.memory_space<hbm>>
    tpu.enqueue_indirect_dma source(%dma_start3A_31 : memref<100000x128xf32, #tpu.memory_space<hbm>>) target(%arg9 : memref<128x128xf32, #tpu.memory_space<vmem>>) offsets(%dma_start3A_28 : memref<128xi32, #tpu.memory_space<vmem>>) semaphore(%arg13 : memref<!tpu.dma_semaphore, #tpu.memory_space<semaphore_mem>>)
    %scan3A = arith.constant 0 : i32
    %scan3A_32 = arith.constant 0 : i32
    %scan3A_33 = arith.constant 49 : i32
    %scan3A_34 = arith.addi %scan3A_32, %scan3A_33 : i32
    %scan3A_35 = arith.constant 1 : i32
    scf.for %scan3A_100 = %scan3A_32 to %scan3A_34 step %scan3A_35  : i32 {
      %mul3A_101 = arith.constant 4 : i32
      %mul3A_102 = arith.muli %mul3A_101, %scan3A_100 : i32
      %dma_wait3A_103 = arith.constant 0 : i32
      %dma_wait3A_104 = arith.constant 0 : i32
      %dma_wait3A_105 = tpu.memref_slice %arg2[%dma_wait3A_103, %dma_wait3A_104] : memref<100000x128xf32, #tpu.memory_space<hbm>> -> memref<128x128xf32, #tpu.memory_space<hbm>>
      %dma_wait3A_106 = arith.constant 0 : i32
      %dma_wait3A_107 = arith.constant 0 : i32
      %dma_wait3A_108 = tpu.memref_slice %arg2[%dma_wait3A_106, %dma_wait3A_107] : memref<100000x128xf32, #tpu.memory_space<hbm>> -> memref<128x128xf32, #tpu.memory_space<hbm>>
      tpu.wait_dma2 semaphore(%arg10 : memref<!tpu.dma_semaphore, #tpu.memory_space<semaphore_mem>>) src(%dma_wait3A_108 : memref<128x128xf32, #tpu.memory_space<hbm>>) dst(%arg6 : memref<128x128xf32, #tpu.memory_space<vmem>>)
      %mul3A_109 = arith.constant 128 : i32
      %mul3A_110 = arith.muli %mul3A_102, %mul3A_109 : i32
      %add3A_111 = arith.addi %mul3A_2, %mul3A_110 : i32
      %dma_start3A_112 = arith.constant 0 : i32
      %dma_start3A_113 = tpu.memref_slice %arg4[%add3A_111, %dma_start3A_112] : memref<819200x128xf32, #tpu.memory_space<hbm>> -> memref<128x128xf32, #tpu.memory_space<hbm>>
      %dma_start3A_114 = arith.constant 0 : i32
      %dma_start3A_115 = tpu.memref_slice %arg4[%add3A_111, %dma_start3A_114] : memref<819200x128xf32, #tpu.memory_space<hbm>> -> memref<128x128xf32, #tpu.memory_space<hbm>>
      tpu.enqueue_dma source(%arg6 : memref<128x128xf32, #tpu.memory_space<vmem>>) target(%dma_start3A_115 : memref<128x128xf32, #tpu.memory_space<hbm>>) target_semaphore(%arg14 : memref<!tpu.dma_semaphore, #tpu.memory_space<semaphore_mem>>)
      %dma_wait3A_116 = arith.constant 0 : i32
      %dma_wait3A_117 = arith.constant 0 : i32
      %dma_wait3A_118 = tpu.memref_slice %arg2[%dma_wait3A_116, %dma_wait3A_117] : memref<100000x128xf32, #tpu.memory_space<hbm>> -> memref<128x128xf32, #tpu.memory_space<hbm>>
      %dma_wait3A_119 = arith.constant 0 : i32
      %dma_wait3A_120 = arith.constant 0 : i32
      %dma_wait3A_121 = tpu.memref_slice %arg2[%dma_wait3A_119, %dma_wait3A_120] : memref<100000x128xf32, #tpu.memory_space<hbm>> -> memref<128x128xf32, #tpu.memory_space<hbm>>
      tpu.wait_dma2 semaphore(%arg11 : memref<!tpu.dma_semaphore, #tpu.memory_space<semaphore_mem>>) src(%dma_wait3A_121 : memref<128x128xf32, #tpu.memory_space<hbm>>) dst(%arg7 : memref<128x128xf32, #tpu.memory_space<vmem>>)
      %add3A_122 = arith.constant 1 : i32
      %add3A_123 = arith.addi %mul3A_102, %add3A_122 : i32
      %mul3A_124 = arith.constant 128 : i32
      %mul3A_125 = arith.muli %add3A_123, %mul3A_124 : i32
      %add3A_126 = arith.addi %mul3A_2, %mul3A_125 : i32
      %dma_start3A_127 = arith.constant 0 : i32
      %dma_start3A_128 = tpu.memref_slice %arg4[%add3A_126, %dma_start3A_127] : memref<819200x128xf32, #tpu.memory_space<hbm>> -> memref<128x128xf32, #tpu.memory_space<hbm>>
      %dma_start3A_129 = arith.constant 0 : i32
      %dma_start3A_130 = tpu.memref_slice %arg4[%add3A_126, %dma_start3A_129] : memref<819200x128xf32, #tpu.memory_space<hbm>> -> memref<128x128xf32, #tpu.memory_space<hbm>>
      tpu.enqueue_dma source(%arg7 : memref<128x128xf32, #tpu.memory_space<vmem>>) target(%dma_start3A_130 : memref<128x128xf32, #tpu.memory_space<hbm>>) target_semaphore(%arg15 : memref<!tpu.dma_semaphore, #tpu.memory_space<semaphore_mem>>)
      %dma_wait3A_131 = arith.constant 0 : i32
      %dma_wait3A_132 = tpu.memref_slice %arg4[%mul3A_2, %dma_wait3A_131] : memref<819200x128xf32, #tpu.memory_space<hbm>> -> memref<128x128xf32, #tpu.memory_space<hbm>>
      %dma_wait3A_133 = arith.constant 0 : i32
      %dma_wait3A_134 = tpu.memref_slice %arg4[%mul3A_2, %dma_wait3A_133] : memref<819200x128xf32, #tpu.memory_space<hbm>> -> memref<128x128xf32, #tpu.memory_space<hbm>>
      tpu.wait_dma2 semaphore(%arg14 : memref<!tpu.dma_semaphore, #tpu.memory_space<semaphore_mem>>) src(%arg6 : memref<128x128xf32, #tpu.memory_space<vmem>>) dst(%dma_wait3A_134 : memref<128x128xf32, #tpu.memory_space<hbm>>)
      %add3A_135 = arith.constant 4 : i32
      %add3A_136 = arith.addi %mul3A_102, %add3A_135 : i32
      %dma_start3A_137 = arith.constant 0 : i32
      %dma_start3A_138 = tpu.memref_slice %arg5[%add3A_136, %dma_start3A_137] : memref<200x128xi32, #tpu.memory_space<vmem>> -> memref<1x128xi32, #tpu.memory_space<vmem>>
      %dma_start3A_139 = tpu.memref_squeeze %dma_start3A_138 : memref<1x128xi32, #tpu.memory_space<vmem>> -> memref<128xi32, #tpu.memory_space<vmem>>
      %dma_start3A_140 = arith.constant 0 : i32
      %dma_start3A_141 = arith.constant 0 : i32
      %dma_start3A_142 = tpu.memref_slice %arg2[%dma_start3A_140, %dma_start3A_141] : memref<100000x128xf32, #tpu.memory_space<hbm>> -> memref<100000x128xf32, #tpu.memory_space<hbm>>
      tpu.enqueue_indirect_dma source(%dma_start3A_142 : memref<100000x128xf32, #tpu.memory_space<hbm>>) target(%arg6 : memref<128x128xf32, #tpu.memory_space<vmem>>) offsets(%dma_start3A_139 : memref<128xi32, #tpu.memory_space<vmem>>) semaphore(%arg10 : memref<!tpu.dma_semaphore, #tpu.memory_space<semaphore_mem>>)
      %dma_wait3A_143 = arith.constant 0 : i32
      %dma_wait3A_144 = arith.constant 0 : i32
      %dma_wait3A_145 = tpu.memref_slice %arg2[%dma_wait3A_143, %dma_wait3A_144] : memref<100000x128xf32, #tpu.memory_space<hbm>> -> memref<128x128xf32, #tpu.memory_space<hbm>>
      %dma_wait3A_146 = arith.constant 0 : i32
      %dma_wait3A_147 = arith.constant 0 : i32
      %dma_wait3A_148 = tpu.memref_slice %arg2[%dma_wait3A_146, %dma_wait3A_147] : memref<100000x128xf32, #tpu.memory_space<hbm>> -> memref<128x128xf32, #tpu.memory_space<hbm>>
      tpu.wait_dma2 semaphore(%arg12 : memref<!tpu.dma_semaphore, #tpu.memory_space<semaphore_mem>>) src(%dma_wait3A_148 : memref<128x128xf32, #tpu.memory_space<hbm>>) dst(%arg8 : memref<128x128xf32, #tpu.memory_space<vmem>>)
      %add3A_149 = arith.constant 2 : i32
      %add3A_150 = arith.addi %mul3A_102, %add3A_149 : i32
      %mul3A_151 = arith.constant 128 : i32
      %mul3A_152 = arith.muli %add3A_150, %mul3A_151 : i32
      %add3A_153 = arith.addi %mul3A_2, %mul3A_152 : i32
      %dma_start3A_154 = arith.constant 0 : i32
      %dma_start3A_155 = tpu.memref_slice %arg4[%add3A_153, %dma_start3A_154] : memref<819200x128xf32, #tpu.memory_space<hbm>> -> memref<128x128xf32, #tpu.memory_space<hbm>>
      %dma_start3A_156 = arith.constant 0 : i32
      %dma_start3A_157 = tpu.memref_slice %arg4[%add3A_153, %dma_start3A_156] : memref<819200x128xf32, #tpu.memory_space<hbm>> -> memref<128x128xf32, #tpu.memory_space<hbm>>
      tpu.enqueue_dma source(%arg8 : memref<128x128xf32, #tpu.memory_space<vmem>>) target(%dma_start3A_157 : memref<128x128xf32, #tpu.memory_space<hbm>>) target_semaphore(%arg16 : memref<!tpu.dma_semaphore, #tpu.memory_space<semaphore_mem>>)
      %dma_wait3A_158 = arith.constant 0 : i32
      %dma_wait3A_159 = tpu.memref_slice %arg4[%mul3A_2, %dma_wait3A_158] : memref<819200x128xf32, #tpu.memory_space<hbm>> -> memref<128x128xf32, #tpu.memory_space<hbm>>
      %dma_wait3A_160 = arith.constant 0 : i32
      %dma_wait3A_161 = tpu.memref_slice %arg4[%mul3A_2, %dma_wait3A_160] : memref<819200x128xf32, #tpu.memory_space<hbm>> -> memref<128x128xf32, #tpu.memory_space<hbm>>
      tpu.wait_dma2 semaphore(%arg15 : memref<!tpu.dma_semaphore, #tpu.memory_space<semaphore_mem>>) src(%arg7 : memref<128x128xf32, #tpu.memory_space<vmem>>) dst(%dma_wait3A_161 : memref<128x128xf32, #tpu.memory_space<hbm>>)
      %add3A_162 = arith.constant 5 : i32
      %add3A_163 = arith.addi %mul3A_102, %add3A_162 : i32
      %dma_start3A_164 = arith.constant 0 : i32
      %dma_start3A_165 = tpu.memref_slice %arg5[%add3A_163, %dma_start3A_164] : memref<200x128xi32, #tpu.memory_space<vmem>> -> memref<1x128xi32, #tpu.memory_space<vmem>>
      %dma_start3A_166 = tpu.memref_squeeze %dma_start3A_165 : memref<1x128xi32, #tpu.memory_space<vmem>> -> memref<128xi32, #tpu.memory_space<vmem>>
      %dma_start3A_167 = arith.constant 0 : i32
      %dma_start3A_168 = arith.constant 0 : i32
      %dma_start3A_169 = tpu.memref_slice %arg2[%dma_start3A_167, %dma_start3A_168] : memref<100000x128xf32, #tpu.memory_space<hbm>> -> memref<100000x128xf32, #tpu.memory_space<hbm>>
      tpu.enqueue_indirect_dma source(%dma_start3A_169 : memref<100000x128xf32, #tpu.memory_space<hbm>>) target(%arg7 : memref<128x128xf32, #tpu.memory_space<vmem>>) offsets(%dma_start3A_166 : memref<128xi32, #tpu.memory_space<vmem>>) semaphore(%arg11 : memref<!tpu.dma_semaphore, #tpu.memory_space<semaphore_mem>>)
      %dma_wait3A_170 = arith.constant 0 : i32
      %dma_wait3A_171 = arith.constant 0 : i32
      %dma_wait3A_172 = tpu.memref_slice %arg2[%dma_wait3A_170, %dma_wait3A_171] : memref<100000x128xf32, #tpu.memory_space<hbm>> -> memref<128x128xf32, #tpu.memory_space<hbm>>
      %dma_wait3A_173 = arith.constant 0 : i32
      %dma_wait3A_174 = arith.constant 0 : i32
      %dma_wait3A_175 = tpu.memref_slice %arg2[%dma_wait3A_173, %dma_wait3A_174] : memref<100000x128xf32, #tpu.memory_space<hbm>> -> memref<128x128xf32, #tpu.memory_space<hbm>>
      tpu.wait_dma2 semaphore(%arg13 : memref<!tpu.dma_semaphore, #tpu.memory_space<semaphore_mem>>) src(%dma_wait3A_175 : memref<128x128xf32, #tpu.memory_space<hbm>>) dst(%arg9 : memref<128x128xf32, #tpu.memory_space<vmem>>)
      %add3A_176 = arith.constant 3 : i32
      %add3A_177 = arith.addi %mul3A_102, %add3A_176 : i32
      %mul3A_178 = arith.constant 128 : i32
      %mul3A_179 = arith.muli %add3A_177, %mul3A_178 : i32
      %add3A_180 = arith.addi %mul3A_2, %mul3A_179 : i32
      %dma_start3A_181 = arith.constant 0 : i32
      %dma_start3A_182 = tpu.memref_slice %arg4[%add3A_180, %dma_start3A_181] : memref<819200x128xf32, #tpu.memory_space<hbm>> -> memref<128x128xf32, #tpu.memory_space<hbm>>
      %dma_start3A_183 = arith.constant 0 : i32
      %dma_start3A_184 = tpu.memref_slice %arg4[%add3A_180, %dma_start3A_183] : memref<819200x128xf32, #tpu.memory_space<hbm>> -> memref<128x128xf32, #tpu.memory_space<hbm>>
      tpu.enqueue_dma source(%arg9 : memref<128x128xf32, #tpu.memory_space<vmem>>) target(%dma_start3A_184 : memref<128x128xf32, #tpu.memory_space<hbm>>) target_semaphore(%arg17 : memref<!tpu.dma_semaphore, #tpu.memory_space<semaphore_mem>>)
      %dma_wait3A_185 = arith.constant 0 : i32
      %dma_wait3A_186 = tpu.memref_slice %arg4[%mul3A_2, %dma_wait3A_185] : memref<819200x128xf32, #tpu.memory_space<hbm>> -> memref<128x128xf32, #tpu.memory_space<hbm>>
      %dma_wait3A_187 = arith.constant 0 : i32
      %dma_wait3A_188 = tpu.memref_slice %arg4[%mul3A_2, %dma_wait3A_187] : memref<819200x128xf32, #tpu.memory_space<hbm>> -> memref<128x128xf32, #tpu.memory_space<hbm>>
      tpu.wait_dma2 semaphore(%arg16 : memref<!tpu.dma_semaphore, #tpu.memory_space<semaphore_mem>>) src(%arg8 : memref<128x128xf32, #tpu.memory_space<vmem>>) dst(%dma_wait3A_188 : memref<128x128xf32, #tpu.memory_space<hbm>>)
      %add3A_189 = arith.constant 6 : i32
      %add3A_190 = arith.addi %mul3A_102, %add3A_189 : i32
      %dma_start3A_191 = arith.constant 0 : i32
      %dma_start3A_192 = tpu.memref_slice %arg5[%add3A_190, %dma_start3A_191] : memref<200x128xi32, #tpu.memory_space<vmem>> -> memref<1x128xi32, #tpu.memory_space<vmem>>
      %dma_start3A_193 = tpu.memref_squeeze %dma_start3A_192 : memref<1x128xi32, #tpu.memory_space<vmem>> -> memref<128xi32, #tpu.memory_space<vmem>>
      %dma_start3A_194 = arith.constant 0 : i32
      %dma_start3A_195 = arith.constant 0 : i32
      %dma_start3A_196 = tpu.memref_slice %arg2[%dma_start3A_194, %dma_start3A_195] : memref<100000x128xf32, #tpu.memory_space<hbm>> -> memref<100000x128xf32, #tpu.memory_space<hbm>>
      tpu.enqueue_indirect_dma source(%dma_start3A_196 : memref<100000x128xf32, #tpu.memory_space<hbm>>) target(%arg8 : memref<128x128xf32, #tpu.memory_space<vmem>>) offsets(%dma_start3A_193 : memref<128xi32, #tpu.memory_space<vmem>>) semaphore(%arg12 : memref<!tpu.dma_semaphore, #tpu.memory_space<semaphore_mem>>)
      %dma_wait3A_197 = arith.constant 0 : i32
      %dma_wait3A_198 = tpu.memref_slice %arg4[%mul3A_2, %dma_wait3A_197] : memref<819200x128xf32, #tpu.memory_space<hbm>> -> memref<128x128xf32, #tpu.memory_space<hbm>>
      %dma_wait3A_199 = arith.constant 0 : i32
      %dma_wait3A_200 = tpu.memref_slice %arg4[%mul3A_2, %dma_wait3A_199] : memref<819200x128xf32, #tpu.memory_space<hbm>> -> memref<128x128xf32, #tpu.memory_space<hbm>>
      tpu.wait_dma2 semaphore(%arg17 : memref<!tpu.dma_semaphore, #tpu.memory_space<semaphore_mem>>) src(%arg9 : memref<128x128xf32, #tpu.memory_space<vmem>>) dst(%dma_wait3A_200 : memref<128x128xf32, #tpu.memory_space<hbm>>)
      %add3A_201 = arith.constant 7 : i32
      %add3A_202 = arith.addi %mul3A_102, %add3A_201 : i32
      %dma_start3A_203 = arith.constant 0 : i32
      %dma_start3A_204 = tpu.memref_slice %arg5[%add3A_202, %dma_start3A_203] : memref<200x128xi32, #tpu.memory_space<vmem>> -> memref<1x128xi32, #tpu.memory_space<vmem>>
      %dma_start3A_205 = tpu.memref_squeeze %dma_start3A_204 : memref<1x128xi32, #tpu.memory_space<vmem>> -> memref<128xi32, #tpu.memory_space<vmem>>
      %dma_start3A_206 = arith.constant 0 : i32
      %dma_start3A_207 = arith.constant 0 : i32
      %dma_start3A_208 = tpu.memref_slice %arg2[%dma_start3A_206, %dma_start3A_207] : memref<100000x128xf32, #tpu.memory_space<hbm>> -> memref<100000x128xf32, #tpu.memory_space<hbm>>
      tpu.enqueue_indirect_dma source(%dma_start3A_208 : memref<100000x128xf32, #tpu.memory_space<hbm>>) target(%arg9 : memref<128x128xf32, #tpu.memory_space<vmem>>) offsets(%dma_start3A_205 : memref<128xi32, #tpu.memory_space<vmem>>) semaphore(%arg13 : memref<!tpu.dma_semaphore, #tpu.memory_space<semaphore_mem>>)
    }
    %scan3A_36 = arith.constant 49 : i32
    %dma_wait3A = arith.constant 0 : i32
    %dma_wait3A_37 = arith.constant 0 : i32
    %dma_wait3A_38 = tpu.memref_slice %arg2[%dma_wait3A, %dma_wait3A_37] : memref<100000x128xf32, #tpu.memory_space<hbm>> -> memref<128x128xf32, #tpu.memory_space<hbm>>
    %dma_wait3A_39 = arith.constant 0 : i32
    %dma_wait3A_40 = arith.constant 0 : i32
    %dma_wait3A_41 = tpu.memref_slice %arg2[%dma_wait3A_39, %dma_wait3A_40] : memref<100000x128xf32, #tpu.memory_space<hbm>> -> memref<128x128xf32, #tpu.memory_space<hbm>>
    tpu.wait_dma2 semaphore(%arg10 : memref<!tpu.dma_semaphore, #tpu.memory_space<semaphore_mem>>) src(%dma_wait3A_41 : memref<128x128xf32, #tpu.memory_space<hbm>>) dst(%arg6 : memref<128x128xf32, #tpu.memory_space<vmem>>)
    %add3A_42 = arith.constant 25088 : i32
    %add3A_43 = arith.addi %mul3A_2, %add3A_42 : i32
    %dma_start3A_44 = arith.constant 0 : i32
    %dma_start3A_45 = tpu.memref_slice %arg4[%add3A_43, %dma_start3A_44] : memref<819200x128xf32, #tpu.memory_space<hbm>> -> memref<128x128xf32, #tpu.memory_space<hbm>>
    %dma_start3A_46 = arith.constant 0 : i32
    %dma_start3A_47 = tpu.memref_slice %arg4[%add3A_43, %dma_start3A_46] : memref<819200x128xf32, #tpu.memory_space<hbm>> -> memref<128x128xf32, #tpu.memory_space<hbm>>
    tpu.enqueue_dma source(%arg6 : memref<128x128xf32, #tpu.memory_space<vmem>>) target(%dma_start3A_47 : memref<128x128xf32, #tpu.memory_space<hbm>>) target_semaphore(%arg14 : memref<!tpu.dma_semaphore, #tpu.memory_space<semaphore_mem>>)
    %dma_wait3A_48 = arith.constant 0 : i32
    %dma_wait3A_49 = arith.constant 0 : i32
    %dma_wait3A_50 = tpu.memref_slice %arg2[%dma_wait3A_48, %dma_wait3A_49] : memref<100000x128xf32, #tpu.memory_space<hbm>> -> memref<128x128xf32, #tpu.memory_space<hbm>>
    %dma_wait3A_51 = arith.constant 0 : i32
    %dma_wait3A_52 = arith.constant 0 : i32
    %dma_wait3A_53 = tpu.memref_slice %arg2[%dma_wait3A_51, %dma_wait3A_52] : memref<100000x128xf32, #tpu.memory_space<hbm>> -> memref<128x128xf32, #tpu.memory_space<hbm>>
    tpu.wait_dma2 semaphore(%arg11 : memref<!tpu.dma_semaphore, #tpu.memory_space<semaphore_mem>>) src(%dma_wait3A_53 : memref<128x128xf32, #tpu.memory_space<hbm>>) dst(%arg7 : memref<128x128xf32, #tpu.memory_space<vmem>>)
    %add3A_54 = arith.constant 25216 : i32
    %add3A_55 = arith.addi %mul3A_2, %add3A_54 : i32
    %dma_start3A_56 = arith.constant 0 : i32
    %dma_start3A_57 = tpu.memref_slice %arg4[%add3A_55, %dma_start3A_56] : memref<819200x128xf32, #tpu.memory_space<hbm>> -> memref<128x128xf32, #tpu.memory_space<hbm>>
    %dma_start3A_58 = arith.constant 0 : i32
    %dma_start3A_59 = tpu.memref_slice %arg4[%add3A_55, %dma_start3A_58] : memref<819200x128xf32, #tpu.memory_space<hbm>> -> memref<128x128xf32, #tpu.memory_space<hbm>>
    tpu.enqueue_dma source(%arg7 : memref<128x128xf32, #tpu.memory_space<vmem>>) target(%dma_start3A_59 : memref<128x128xf32, #tpu.memory_space<hbm>>) target_semaphore(%arg15 : memref<!tpu.dma_semaphore, #tpu.memory_space<semaphore_mem>>)
    %dma_wait3A_60 = arith.constant 0 : i32
    %dma_wait3A_61 = arith.constant 0 : i32
    %dma_wait3A_62 = tpu.memref_slice %arg2[%dma_wait3A_60, %dma_wait3A_61] : memref<100000x128xf32, #tpu.memory_space<hbm>> -> memref<128x128xf32, #tpu.memory_space<hbm>>
    %dma_wait3A_63 = arith.constant 0 : i32
    %dma_wait3A_64 = arith.constant 0 : i32
    %dma_wait3A_65 = tpu.memref_slice %arg2[%dma_wait3A_63, %dma_wait3A_64] : memref<100000x128xf32, #tpu.memory_space<hbm>> -> memref<128x128xf32, #tpu.memory_space<hbm>>
    tpu.wait_dma2 semaphore(%arg12 : memref<!tpu.dma_semaphore, #tpu.memory_space<semaphore_mem>>) src(%dma_wait3A_65 : memref<128x128xf32, #tpu.memory_space<hbm>>) dst(%arg8 : memref<128x128xf32, #tpu.memory_space<vmem>>)
    %add3A_66 = arith.constant 25344 : i32
    %add3A_67 = arith.addi %mul3A_2, %add3A_66 : i32
    %dma_start3A_68 = arith.constant 0 : i32
    %dma_start3A_69 = tpu.memref_slice %arg4[%add3A_67, %dma_start3A_68] : memref<819200x128xf32, #tpu.memory_space<hbm>> -> memref<128x128xf32, #tpu.memory_space<hbm>>
    %dma_start3A_70 = arith.constant 0 : i32
    %dma_start3A_71 = tpu.memref_slice %arg4[%add3A_67, %dma_start3A_70] : memref<819200x128xf32, #tpu.memory_space<hbm>> -> memref<128x128xf32, #tpu.memory_space<hbm>>
    tpu.enqueue_dma source(%arg8 : memref<128x128xf32, #tpu.memory_space<vmem>>) target(%dma_start3A_71 : memref<128x128xf32, #tpu.memory_space<hbm>>) target_semaphore(%arg16 : memref<!tpu.dma_semaphore, #tpu.memory_space<semaphore_mem>>)
    %dma_wait3A_72 = arith.constant 0 : i32
    %dma_wait3A_73 = arith.constant 0 : i32
    %dma_wait3A_74 = tpu.memref_slice %arg2[%dma_wait3A_72, %dma_wait3A_73] : memref<100000x128xf32, #tpu.memory_space<hbm>> -> memref<128x128xf32, #tpu.memory_space<hbm>>
    %dma_wait3A_75 = arith.constant 0 : i32
    %dma_wait3A_76 = arith.constant 0 : i32
    %dma_wait3A_77 = tpu.memref_slice %arg2[%dma_wait3A_75, %dma_wait3A_76] : memref<100000x128xf32, #tpu.memory_space<hbm>> -> memref<128x128xf32, #tpu.memory_space<hbm>>
    tpu.wait_dma2 semaphore(%arg13 : memref<!tpu.dma_semaphore, #tpu.memory_space<semaphore_mem>>) src(%dma_wait3A_77 : memref<128x128xf32, #tpu.memory_space<hbm>>) dst(%arg9 : memref<128x128xf32, #tpu.memory_space<vmem>>)
    %add3A_78 = arith.constant 25472 : i32
    %add3A_79 = arith.addi %mul3A_2, %add3A_78 : i32
    %dma_start3A_80 = arith.constant 0 : i32
    %dma_start3A_81 = tpu.memref_slice %arg4[%add3A_79, %dma_start3A_80] : memref<819200x128xf32, #tpu.memory_space<hbm>> -> memref<128x128xf32, #tpu.memory_space<hbm>>
    %dma_start3A_82 = arith.constant 0 : i32
    %dma_start3A_83 = tpu.memref_slice %arg4[%add3A_79, %dma_start3A_82] : memref<819200x128xf32, #tpu.memory_space<hbm>> -> memref<128x128xf32, #tpu.memory_space<hbm>>
    tpu.enqueue_dma source(%arg9 : memref<128x128xf32, #tpu.memory_space<vmem>>) target(%dma_start3A_83 : memref<128x128xf32, #tpu.memory_space<hbm>>) target_semaphore(%arg17 : memref<!tpu.dma_semaphore, #tpu.memory_space<semaphore_mem>>)
    %dma_wait3A_84 = arith.constant 0 : i32
    %dma_wait3A_85 = tpu.memref_slice %arg4[%mul3A_2, %dma_wait3A_84] : memref<819200x128xf32, #tpu.memory_space<hbm>> -> memref<128x128xf32, #tpu.memory_space<hbm>>
    %dma_wait3A_86 = arith.constant 0 : i32
    %dma_wait3A_87 = tpu.memref_slice %arg4[%mul3A_2, %dma_wait3A_86] : memref<819200x128xf32, #tpu.memory_space<hbm>> -> memref<128x128xf32, #tpu.memory_space<hbm>>
    tpu.wait_dma2 semaphore(%arg14 : memref<!tpu.dma_semaphore, #tpu.memory_space<semaphore_mem>>) src(%arg6 : memref<128x128xf32, #tpu.memory_space<vmem>>) dst(%dma_wait3A_87 : memref<128x128xf32, #tpu.memory_space<hbm>>)
    %dma_wait3A_88 = arith.constant 0 : i32
    %dma_wait3A_89 = tpu.memref_slice %arg4[%mul3A_2, %dma_wait3A_88] : memref<819200x128xf32, #tpu.memory_space<hbm>> -> memref<128x128xf32, #tpu.memory_space<hbm>>
    %dma_wait3A_90 = arith.constant 0 : i32
    %dma_wait3A_91 = tpu.memref_slice %arg4[%mul3A_2, %dma_wait3A_90] : memref<819200x128xf32, #tpu.memory_space<hbm>> -> memref<128x128xf32, #tpu.memory_space<hbm>>
    tpu.wait_dma2 semaphore(%arg15 : memref<!tpu.dma_semaphore, #tpu.memory_space<semaphore_mem>>) src(%arg7 : memref<128x128xf32, #tpu.memory_space<vmem>>) dst(%dma_wait3A_91 : memref<128x128xf32, #tpu.memory_space<hbm>>)
    %dma_wait3A_92 = arith.constant 0 : i32
    %dma_wait3A_93 = tpu.memref_slice %arg4[%mul3A_2, %dma_wait3A_92] : memref<819200x128xf32, #tpu.memory_space<hbm>> -> memref<128x128xf32, #tpu.memory_space<hbm>>
    %dma_wait3A_94 = arith.constant 0 : i32
    %dma_wait3A_95 = tpu.memref_slice %arg4[%mul3A_2, %dma_wait3A_94] : memref<819200x128xf32, #tpu.memory_space<hbm>> -> memref<128x128xf32, #tpu.memory_space<hbm>>
    tpu.wait_dma2 semaphore(%arg16 : memref<!tpu.dma_semaphore, #tpu.memory_space<semaphore_mem>>) src(%arg8 : memref<128x128xf32, #tpu.memory_space<vmem>>) dst(%dma_wait3A_95 : memref<128x128xf32, #tpu.memory_space<hbm>>)
    %dma_wait3A_96 = arith.constant 0 : i32
    %dma_wait3A_97 = tpu.memref_slice %arg4[%mul3A_2, %dma_wait3A_96] : memref<819200x128xf32, #tpu.memory_space<hbm>> -> memref<128x128xf32, #tpu.memory_space<hbm>>
    %dma_wait3A_98 = arith.constant 0 : i32
    %dma_wait3A_99 = tpu.memref_slice %arg4[%mul3A_2, %dma_wait3A_98] : memref<819200x128xf32, #tpu.memory_space<hbm>> -> memref<128x128xf32, #tpu.memory_space<hbm>>
    tpu.wait_dma2 semaphore(%arg17 : memref<!tpu.dma_semaphore, #tpu.memory_space<semaphore_mem>>) src(%arg9 : memref<128x128xf32, #tpu.memory_space<vmem>>) dst(%dma_wait3A_99 : memref<128x128xf32, #tpu.memory_space<hbm>>)
    return
  }
}

</mosaic_0001>

<sc_bundles>
// kernel: kernel.3.cloned.1.call-start
scs
__scs_entry_jumppad:
0x0: {  	(pc) =	sbr.rel $0x88, $3  }
0x1: {  	(tag) =	ssettag $0x0;
	lr =	simm.s32 $0x1  }
0x2: {  	[smem:$0x3F9F] =	sst lr;
	_ =	strace $0xD0000000  }
0x3: {  	_ = 	snop  }
0x4: {  	_ = 	snop  }
0x5: {  	_ = 	snop  }
0x6: {  	_ = 	snop  }
0x7: {  	_ = 	snop  }
__scs_overlays_trampoline_lowered:
0x8: {  	[smem:$0x3FAE] =	sst s0  }
0x9: {  	[smem:$0x3FAF] =	sst s1  }
0xa: {  	[smem:$0x3FB0] =	sst s2  }
0xb: {  	[smem:$0x3FB1] =	sst s3  }
0xc: {  	[smem:$0x3FB2] =	sst s4  }
0xd: {  	[smem:$0x3FB3] =	sst s5  }
0xe: {  	[smem:$0x3FB4] =	sst s6  }
0xf: {  	[smem:$0x3FB5] =	sst s7  }
0x10: {  	[smem:$0x3FB6] =	sst s8  }
0x11: {  	[smem:$0x3FB7] =	sst s9;
	s0 =	simm.s32 @!p0 $0x0  }
0x12: {  	s1 =	sld [smem:$0x3F9D];
	s0 =	simm.s32 @p0 $0x1  }
0x13: {  	[smem:$0x3FB8] =	sst s0;
	s0 =	simm.s32 @!p1 $0x0  }
0x14: {  	s2 =	sld [smem:$0x3F9C];
	s0 =	simm.s32 @p1 $0x1  }
0x15: {  	[smem:$0x3FB9] =	sst s0;
	s0 =	simm.s32 @!p2 $0x0  }
0x16: {  	s3 =	sld [smem:$0x3FDB];
	s0 =	simm.s32 @p2 $0x1  }
0x17: {  	s4 =	simm.s32 $0x1BF5;
	[smem:$0x3FBB] =	sst s0  }
0x18: {  	s0 =	sld [smem:$0x3F9E];
	_ =	swait.ge [sflag:s4], $0x0  }
0x19: {  	s7 =	sld [smem:$0x3F9F]  }
0x1a: {  	s8 =	sadd.s32 $0xFFFFE003, lr  }
0x1b: {  	s9 =	sadd.s32 $0xFFFFFEF7, lr;
	s5 =	simm.s32 $0xFFFFFFFF;
	p2 =	slt.u32 s8, $0xFFFFF086  }
0x1c: {  	p1 =	slt.u32 s9, $0xF7A;
	s5 =	simm.s32 @!p2 $0x0  }
0x1d: {  	s5 =	simm.s32 @p1 $0x1;
	p0 =	seq.s32 s7, s2  }
0x1e: {  	s7 =	smul.u32 @!p0 $0xF7A, s2;
	p2 =	seq.s32 @!p0 s5, $0x0  }
0x1f: {  	s9 =	smul.u32 $0xF7A, s1;
	s8 =	simm.s32 @!p0 $0x1BF5;
	p2 =	por !p2, p0  }
0x20: {  	[sflag:s8] =	ssyncset.s32 @!p0 $0xFFFFF086;
	s6 =	sadd.s32 @!p0 s3, s7;
	s7 =	simm.s32 @!p0 $0x108  }
0x21: {  	s3 =	sadd.s32 s3, s9;
	s6 =	sadd.s32 @!p0 $0x88, s6;
	s7 =	simm.s32 @p2 $0x1082  }
0x22: {  	[simem:s7], [sflag:s8] =	dma.local @!p0 [hbm:s6], $0xF7A  }
0x23: {  	s9 =	sor.u32 $0xD0000000, s2;
	s6 =	simm.s32 $0x108;
	_ =	swait.ge @!p0 [sflag:s8], $0x0  }
0x24: {  	s3 =	sadd.s32 $0x88, s3;
	s6 =	simm.s32 @!p1 $0x1082;
	[sflag:s4] =	ssyncset.s32 $0xFFFFF086  }
0x25: {  	[simem:s6], [sflag:s4] =	dma.local [hbm:s3], $0xF7A  }
0x26: {  	[smem:$0x3F9F] =	sst s1;
	(tag) =	ssettag s2;
	_ =	strace s9  }
0x27: {  	s1 =	sld [smem:$0x3FAF]  }
0x28: {  	s2 =	sld [smem:$0x3FB0]  }
0x29: {  	s4 =	sld [smem:$0x3FB2]  }
0x2a: {  	p0 =	seq.s32 s5, $0x0;
	s5 =	sld [smem:$0x3FB3]  }
0x2b: {  	s6 =	sld [smem:$0x3FB4]  }
0x2c: {  	s7 =	sld [smem:$0x3FB5]  }
0x2d: {  	s3 =	simm.s32 $0x108;
	s8 =	sld [smem:$0x3FB6]  }
0x2e: {  	s3 =	simm.s32 @!p0 $0x1082;
	s9 =	sld [smem:$0x3FB7]  }
0x2f: {  	lr =	sadd.s32 s0, s3;
	s0 =	sld [smem:$0x3FAE]  }
0x30: {  	s3 =	sld [smem:$0x3FB1]  }
0x31: {  	[smem:$0x3FBA] =	sst s10  }
0x32: {  	s10 =	sld [smem:$0x3FB8];
	_ =	sdelay $0x3  }
0x33: {  	p0 =	seq.s32 s10, $0x1;
	s10 =	sld [smem:$0x3FBA];
	_ =	sdelay $0x3  }
0x34: {  	[smem:$0x3FBA] =	sst s10  }
0x35: {  	s10 =	sld [smem:$0x3FB9];
	_ =	sdelay $0x3  }
0x36: {  	p1 =	seq.s32 s10, $0x1;
	s10 =	sld [smem:$0x3FBA];
	_ =	sdelay $0x3  }
0x37: {  	[smem:$0x3FBA] =	sst s10  }
0x38: {  	s10 =	sld [smem:$0x3FBB]  }
0x39: {  	_ = 	snop;
	(pc) =	sbr.ind lr, $3  }
0x3a: {  	_ = 	snop  }
0x3b: {  	_ = 	snop  }
0x3c: {  	p2 =	seq.s32 s10, $0x1;
	s10 =	sld [smem:$0x3FBA]  }
0x3d: {  	_ =	shalt  }
0x3e: {  	_ =	shalt  }
0x3f: {  	_ =	shalt  }
0x40: {  	_ =	shalt  }
0x41: {  	_ =	shalt  }
0x42: {  	_ =	shalt  }
0x43: {  	_ =	shalt  }
0x44: {  	_ =	shalt  }
0x45: {  	_ =	shalt  }
0x46: {  	_ =	shalt  }
0x47: {  	_ =	shalt  }
0x48: {  	_ =	shalt  }
0x49: {  	_ =	shalt  }
0x4a: {  	_ =	shalt  }
0x4b: {  	_ =	shalt  }
0x4c: {  	_ =	shalt  }
0x4d: {  	_ =	shalt  }
0x4e: {  	_ =	shalt  }
0x4f: {  	_ =	shalt  }
0x50: {  	_ =	shalt  }
0x51: {  	_ =	shalt  }
0x52: {  	_ =	shalt  }
0x53: {  	_ =	shalt  }
0x54: {  	_ =	shalt  }
0x55: {  	_ =	shalt  }
0x56: {  	_ =	shalt  }
0x57: {  	_ =	shalt  }
0x58: {  	_ =	shalt  }
0x59: {  	_ =	shalt  }
0x5a: {  	_ =	shalt  }
0x5b: {  	_ =	shalt  }
0x5c: {  	_ =	shalt  }
0x5d: {  	_ =	shalt  }
0x5e: {  	_ =	shalt  }
0x5f: {  	_ =	shalt  }
0x60: {  	_ =	shalt  }
0x61: {  	_ =	shalt  }
0x62: {  	_ =	shalt  }
0x63: {  	_ =	shalt  }
0x64: {  	_ =	shalt  }
0x65: {  	_ =	shalt  }
0x66: {  	_ =	shalt  }
0x67: {  	_ =	shalt  }
0x68: {  	_ =	shalt  }
0x69: {  	_ =	shalt  }
0x6a: {  	_ =	shalt  }
0x6b: {  	_ =	shalt  }
0x6c: {  	_ =	shalt  }
0x6d: {  	_ =	shalt  }
0x6e: {  	_ =	shalt  }
0x6f: {  	_ =	shalt  }
0x70: {  	_ =	shalt  }
0x71: {  	_ =	shalt  }
0x72: {  	_ =	shalt  }
0x73: {  	_ =	shalt  }
0x74: {  	_ =	shalt  }
0x75: {  	_ =	shalt  }
0x76: {  	_ =	shalt  }
0x77: {  	_ =	shalt  }
0x78: {  	_ =	shalt  }
0x79: {  	_ =	shalt  }
0x7a: {  	_ =	shalt  }
0x7b: {  	_ =	shalt  }
0x7c: {  	_ =	shalt  }
0x7d: {  	_ =	shalt  }
0x7e: {  	_ =	shalt  }
0x7f: {  	_ =	shalt  }
0x80: {  	_ =	shalt  }
0x81: {  	_ =	shalt  }
0x82: {  	_ =	shalt  }
0x83: {  	_ =	shalt  }
0x84: {  	_ =	shalt  }
0x85: {  	_ =	shalt  }
0x86: {  	_ =	shalt  }
0x87: {  	_ =	shalt  }
.Lfunc_end0:
.L_simem_size_0:
called_computation_lowered:
.L_overlay_start_0:
0x88: {  	s2 =	sld [smem:$0x3FD9]  }
0x89: {  	s3 =	sld [smem:$0x3FFE];
	_ =	sdelay $0x1  }
0x8a: {  	s1 =	srdreg.scid  }
0x8b: {  	s0 =	sand.u32 $0x1, s1  }
0x8c: {  	s17 =	sshll.u32 s0, $0xA;
	s2 =	sadd.s32 s3, s2  }
0x8d: {  	s2 =	sadd.s32 s2, s17  }
0x8e: {  	[smem:$0x3FC6] =	sst s2  }
0x8f: {  	_ = 	snop  }
0x90: {  	s2 =	sld [smem:$0x3FC8]  }
0x91: {  	s18 =	sld [smem:$0x3FD0];
	(tm) =	ssettm $0x1  }
0x92: {  	s4 =	sld [smem:$0x3FFB];
	_ =	sdelay $0x3  }
0x93: {  	_ =	strace s4  }
0x94: {  	s4 =	sld [smem:$0x3FFC];
	_ =	sdelay $0x3  }
0x95: {  	_ =	strace s4  }
0x96: {  	s4 =	sld [smem:$0x3FFD];
	_ =	sdelay $0x3  }
0x97: {  	_ =	strace s4  }
0x98: {  	_ =	strace $0x8FFFFFFF  }
0x99: {  	s19 =	sld [smem:$0x3FDB];
	_ =	sdelay $0x1  }
0x9a: {  	s5 =	simm.s32 $_scs_section_size  }
0x9b: {  	s6 =	simm.s32 $_size__tile_overlayer_lowered;
	s7 =	simm.s32 $_tile_overlayer_lowered  }
0x9c: {  	s22 =	simm.s32 $0x1BFF;
	s21 =	sshll.u32 s7, $0x1;
	s4 =	sadd.s32 s5, s19  }
0x9d: {  	s8 =	simm.s32 $0x0;
	s20 =	sshll.u32 s6, $0x1;
	s6 =	sadd.s32 s21, s4  }
0x9e: {  	[timem:s8], [sflag:s22] =	dma.local [hbm:s6], s20  }
0x9f: {  	_ =	swait.ge [sflag:s22], s20  }
0xa0: {  	s5 =	ssub.s32 $0x0, s20;
	[sflag:s22] =	ssyncset.done $0x0  }
0xa1: {  	[sflag:s22] =	ssyncadd.s32 s5;
	_ =	sdelay $0x1  }
0xa2: {  	s23 =	simm.s32 $0x1B8B  }
0xa3: {  	_ =	swait.ge [sflag:s23], $0x1  }
0xa4: {  	[sflag:s23] =	ssyncset.done $0x0  }
0xa5: {  	s25 =	simm.s32 $0x1B8E;
	s24 =	sld [smem:$0x3FFE];
	[sflag:s23] =	ssyncadd.s32 $0xFFFFFFFF  }
0xa6: {  	s26 =	simm.s32 $execute0_lowered;
	[smem:$0x3FD2] =	sst s25  }
0xa7: {  	s6 =	sshll.u32 s26, $0x1;
	_ =	strace $0x80000046;
	[dreg:$0x1] =	wrdreg $0xFFFFFFFF  }
0xa8: {  	s28 =	simm.s32 $_size_execute0_lowered;
	s4 =	sadd.s32 s4, s6;
	[dreg:$0x0] =	wrdreg $0x0  }
0xa9: {  	s6 =	sshll.u32 s28, $0x1;
	[dreg:$0x2] =	wrdreg s4  }
0xaa: {  	[dreg:$0x3] =	wrdreg s6  }
0xab: {  	[dreg:$0x4] =	wrdreg $0xC0  }
0xac: {  	_ =	task [dreg:s8], $0x5FFFF  }
0xad: {  	[dreg:$0x1] =	wrdreg $0xFFFFFFFF  }
0xae: {  	[dreg:$0x0] =	wrdreg $0x60  }
0xaf: {  	[dreg:$0x2] =	wrdreg s2  }
0xb0: {  	[dreg:$0x3] =	wrdreg s24  }
0xb1: {  	[dreg:$0x4] =	wrdreg s18  }
0xb2: {  	[dreg:$0x5] =	wrdreg $0x9  }
0xb3: {  	_ =	task.clear_ibuf [dreg:s8], $0x6FFFF;
	_ =	strace $0x90000046  }
0xb4: {  	s29 =	simm.s32 $0x9;
	_ =	strace $0x80000048  }
0xb5: {  	_ =	swait.ge [sflag:s29], $0x1  }
0xb6: {  	[sflag:s29] =	ssyncadd.s32 $0xFFFFFFFF  }
0xb7: {  	_ =	strace $0x90000048  }
0xb8: {  	_ =	sfence  }
0xb9: {  	s30 =	sld [smem:$0x0];
	_ =	sdelay $0x2  }
0xba: {  	s31 =	sshll.u32 s1, $0xD;
	s1 =	sshrl.u32 s1, $0x2  }
0xbb: {  	s3 =	sand.u32 $0x4000, s31;
	s1 =	sadd.s32 s1, s30  }
0xbc: {  	s0 =	sor.u32 s3, s0;
	s1 =	sshll.u32 s1, $0x11  }
0xbd: {  	s0 =	sor.u32 s1, s0  }
0xbe: {  	s0 =	sadd.s32 $0x8F2B, s0  }
0xbf: {  	[sflag:s0] =	ssyncadd.remote.s32 $0x1  }
0xc0: {  	_ =	sfence.sel $0xFFFF  }
0xc1: {  	[dreg:$0x0] =	wrdreg $0xFFFFFFFF;
	(pc) =	sbr.abs _section_cstart, $3  }
0xc2: {  	[dreg:$0x1] =	wrdreg $0xFFFFFFFF  }
0xc3: {  	_ =	task.clear_ibuf [dreg:s8], $0x2FFFF;
	_ =	strace $0x9FFFFFFF  }
0xc4: {  	(tm) =	ssettm $0x7FFFFFFF  }
0xc5: {  	_ =	shalt  }
tec
execute0_lowered:
.L_overlay_start_1:
0x0: {  	(tag) =	ssettag $0x1  }
0x1: {  	s1 =	rddreg [dreg:$0x0]  }
0x2: {  	s2 =	srdreg.scid;
	s4 =	rddreg [dreg:$0x1]  }
0x3: {  	s0 =	stileid.u32;
	s11 =	rddreg [dreg:$0x2]  }
0x4: {  	s14 =	simm.s32 $0x6400;
	s15 =	simm.s32 $0xA400;
	s17 =	simm.s32 $0xE400  }
0x5: {  	s18 =	simm.s32 $0x180;
	s19 =	simm.s32 $0x12400;
	s20 =	simm.s32 $0x1  }
0x6: {  	s21 =	simm.s32 $0x2;
	s22 =	simm.s32 $0x5;
	s23 =	simm.s32 $0x3  }
0x7: {  	s24 =	simm.s32 $0x6;
	s25 =	simm.s32 $0x4;
	s8 =	smul.u32 $0x640000, s0  }
0x8: {  	s26 =	simm.s32 $0x7;
	s2 =	sand.u32 $0x1, s2;
	s13 =	smul.u32 $0xC8000, s0  }
0x9: {  	s28 =	simm.s32 $0x8;
	s3 =	sshll.u32 s0, $0x1;
	s12 =	smul.u32 $0x320000, s2  }
0xa: {  	s5 =	sor.u32 s2, s3;
	s30 =	ssub.s32 $0x2, s2;
	s2 =	smul.u32 $0x64000, s2  }
0xb: {  	s29 =	simm.s32 $0x0;
	s3 =	simm.s32 $0x0;
	s6 =	smul.u32 $0xC80, s5  }
0xc: {  	[smem:$0x7FF] =	sst s3;
	s5 =	smul.u32 $0x320000, s5;
	s7 =	sshrl.u32 s30, $0x1  }
0xd: {  	_ =	strace $0x80000047;
	s9 =	ssub.s32 s30, s7;
	s12 =	sadd.s32 s12, s8  }
0xe: {  	s4 =	sadd.s32 s6, s4;
	s5 =	sshrl.u32 s5, $0x3;
	s31 =	sshrl.u32 s12, $0x3  }
0xf: {  	s9 =	smax.u32 s9, $0x1;
	s12 =	simm.s32 $0x9;
	s10 =	sadd.s32 s11, s5  }
0x10: {  	s5 =	sadd.s32 $0x62000, s10;
	s6 =	sadd.s32 $0x62800, s10;
	s7 =	sadd.s32 $0x63000, s10  }
0x11: {  	s8 =	sadd.s32 $0x63800, s10;
	s10 =	sadd.s32 s31, s11;
	s11 =	sadd.s32 s13, s11  }
0x12: {  	s4 =	sadd.s32 $0x400, s4;
	s13 =	simm.s32 $0x80;
	s11 =	sadd.s32 s2, s11  }
.LBB2_1:
0x13: {  	[tilespmem:s3], [sflag:$0x9] =	stream.linear.gather [hbm4b:s4+s3], $0x6400, $0x38;
	[tilespmem:$0x16400] =	vst v63  }
0x14: {  	_ =	swait.ge [sflag:s12], $0x6400  }
0x15: {  	[sflag:s12] =	ssyncset.done $0x0  }
0x16: {  	[sflag:s12] =	ssyncadd.s32 $0xFFFF9C00  }
0x17: {  	[tilespmem:s14], [sflag:$0x1] =	stream.indirect.gather [hbm4b:s1+s13], $0x80, s3, s13, $0xb8;
	[tilespmem:$0x16400] =	vst v63  }
0x18: {  	_ = 	snop  }
0x19: {  	[tilespmem:s15], [sflag:$0x2] =	stream.indirect.gather [hbm4b:s1+s13], $0x80, s13, s13, $0xb8;
	[tilespmem:$0x16400] =	vst v63  }
0x1a: {  	s0 =	simm.s32 $0x100  }
0x1b: {  	[tilespmem:s17], [sflag:$0x3] =	stream.indirect.gather [hbm4b:s1+s13], $0x80, s0, s13, $0xb8;
	[tilespmem:$0x16400] =	vst v63  }
0x1c: {  	_ = 	snop  }
0x1d: {  	[tilespmem:s19], [sflag:$0x4] =	stream.indirect.gather [hbm4b:s1+s13], $0x80, s18, s13, $0xb8;
	[tilespmem:$0x16400] =	vst v63  }
0x1e: {  	_ =	swait.ge [sflag:s20], $0x4000  }
0x1f: {  	[sflag:s20] =	ssyncset.done $0x0  }
0x20: {  	s2 =	sadd.s32 $0x0, s10;
	[sflag:s20] =	ssyncadd.s32 $0xFFFFC000  }
0x21: {  	[hbm4b:s2+s3] =	stream.linear.scatter [tilespmem:s14], [sflag:$0x5], $0x4000, $0x38;
	[tilespmem:$0x16400] =	vst v63  }
0x22: {  	_ =	swait.ge [sflag:s21], $0x4000  }
0x23: {  	s0 =	sadd.s32 $0x0, s11;
	[sflag:s21] =	ssyncset.done $0x0  }
0x24: {  	s30 =	sadd.s32 $0x800, s0;
	[sflag:s21] =	ssyncadd.s32 $0xFFFFC000  }
0x25: {  	[hbm4b:s30+s3] =	stream.linear.scatter [tilespmem:s15], [sflag:$0x6], $0x4000, $0x38;
	[tilespmem:$0x16400] =	vst v63  }
0x26: {  	_ =	swait.ge [sflag:s22], $0x4000  }
0x27: {  	[sflag:s22] =	ssyncset.done $0x0  }
0x28: {  	s30 =	simm.s32 $0x200;
	[sflag:s22] =	ssyncadd.s32 $0xFFFFC000  }
0x29: {  	[tilespmem:s14], [sflag:$0x1] =	stream.indirect.gather [hbm4b:s1+s13], $0x80, s30, s13, $0xb8;
	[tilespmem:$0x16400] =	vst v63  }
0x2a: {  	_ =	swait.ge [sflag:s23], $0x4000  }
0x2b: {  	[sflag:s23] =	ssyncset.done $0x0  }
0x2c: {  	s30 =	sadd.s32 $0x1000, s0;
	[sflag:s23] =	ssyncadd.s32 $0xFFFFC000  }
0x2d: {  	[hbm4b:s30+s3] =	stream.linear.scatter [tilespmem:s17], [sflag:$0x7], $0x4000, $0x38;
	[tilespmem:$0x16400] =	vst v63  }
0x2e: {  	_ =	swait.ge [sflag:s24], $0x4000  }
0x2f: {  	[sflag:s24] =	ssyncset.done $0x0  }
0x30: {  	s30 =	simm.s32 $0x280;
	[sflag:s24] =	ssyncadd.s32 $0xFFFFC000  }
0x31: {  	[tilespmem:s15], [sflag:$0x2] =	stream.indirect.gather [hbm4b:s1+s13], $0x80, s30, s13, $0xb8;
	[tilespmem:$0x16400] =	vst v63  }
0x32: {  	_ =	swait.ge [sflag:s25], $0x4000  }
0x33: {  	[sflag:s25] =	ssyncset.done $0x0  }
0x34: {  	s2 =	sadd.s32 $0x1800, s0;
	[sflag:s25] =	ssyncadd.s32 $0xFFFFC000  }
0x35: {  	[hbm4b:s2+s3] =	stream.linear.scatter [tilespmem:s19], [sflag:$0x8], $0x4000, $0x38;
	[tilespmem:$0x16400] =	vst v63  }
0x36: {  	_ =	swait.ge [sflag:s26], $0x4000  }
0x37: {  	[sflag:s26] =	ssyncset.done $0x0  }
0x38: {  	s16 =	simm.s32 $0x300;
	[sflag:s26] =	ssyncadd.s32 $0xFFFFC000  }
0x39: {  	[tilespmem:s17], [sflag:$0x3] =	stream.indirect.gather [hbm4b:s1+s13], $0x80, s16, s13, $0xb8;
	[tilespmem:$0x16400] =	vst v63  }
0x3a: {  	_ =	swait.ge [sflag:s28], $0x4000  }
0x3b: {  	s31 =	simm.s32 $0x2000;
	[sflag:s28] =	ssyncset.done $0x0  }
0x3c: {  	s30 =	simm.s32 $0x380;
	s2 =	simm.s32 $0x580;
	[sflag:s28] =	ssyncadd.s32 $0xFFFFC000  }
.LBB2_2:
0x3d: {  	[tilespmem:s19], [sflag:$0x4] =	stream.indirect.gather [hbm4b:s1+s13], $0x80, s30, s13, $0xb8;
	[tilespmem:$0x16400] =	vst v63  }
0x3e: {  	s0 =	smov.u32 s31;
	s30 =	smov.u32 s2  }
0x3f: {  	p0 =	sne.s32 s31, $0x60000;
	s31 =	sadd.s32 $0x2000, s31;
	_ =	swait.ge [sflag:s20], $0x4000  }
0x40: {  	[sflag:s20] =	ssyncset.done $0x0  }
0x41: {  	s16 =	sadd.s32 s0, s10;
	[sflag:s20] =	ssyncadd.s32 $0xFFFFC000  }
0x42: {  	[hbm4b:s16+s3] =	stream.linear.scatter [tilespmem:s14], [sflag:$0x5], $0x4000, $0x38;
	[tilespmem:$0x16400] =	vst v63  }
0x43: {  	_ =	swait.ge [sflag:s21], $0x4000  }
0x44: {  	s0 =	sadd.s32 s0, s11;
	[sflag:s21] =	ssyncset.done $0x0  }
0x45: {  	s16 =	sadd.s32 $0x800, s0;
	[sflag:s21] =	ssyncadd.s32 $0xFFFFC000  }
0x46: {  	[hbm4b:s16+s3] =	stream.linear.scatter [tilespmem:s15], [sflag:$0x6], $0x4000, $0x38;
	[tilespmem:$0x16400] =	vst v63  }
0x47: {  	_ =	swait.ge [sflag:s22], $0x4000  }
0x48: {  	[sflag:s22] =	ssyncset.done $0x0  }
0x49: {  	s16 =	sadd.s32 $0xFFFFFE80, s2;
	[sflag:s22] =	ssyncadd.s32 $0xFFFFC000  }
0x4a: {  	[tilespmem:s14], [sflag:$0x1] =	stream.indirect.gather [hbm4b:s1+s13], $0x80, s16, s13, $0xb8;
	[tilespmem:$0x16400] =	vst v63  }
0x4b: {  	_ =	swait.ge [sflag:s23], $0x4000  }
0x4c: {  	[sflag:s23] =	ssyncset.done $0x0  }
0x4d: {  	s16 =	sadd.s32 $0x1000, s0;
	[sflag:s23] =	ssyncadd.s32 $0xFFFFC000  }
0x4e: {  	[hbm4b:s16+s3] =	stream.linear.scatter [tilespmem:s17], [sflag:$0x7], $0x4000, $0x38;
	[tilespmem:$0x16400] =	vst v63  }
0x4f: {  	_ =	swait.ge [sflag:s24], $0x4000  }
0x50: {  	[sflag:s24] =	ssyncset.done $0x0  }
0x51: {  	s16 =	sadd.s32 $0xFFFFFF00, s2;
	[sflag:s24] =	ssyncadd.s32 $0xFFFFC000  }
0x52: {  	[tilespmem:s15], [sflag:$0x2] =	stream.indirect.gather [hbm4b:s1+s13], $0x80, s16, s13, $0xb8;
	[tilespmem:$0x16400] =	vst v63  }
0x53: {  	_ =	swait.ge [sflag:s25], $0x4000  }
0x54: {  	[sflag:s25] =	ssyncset.done $0x0  }
0x55: {  	s0 =	sadd.s32 $0x1800, s0;
	[sflag:s25] =	ssyncadd.s32 $0xFFFFC000  }
0x56: {  	[hbm4b:s0+s3] =	stream.linear.scatter [tilespmem:s19], [sflag:$0x8], $0x4000, $0x38;
	[tilespmem:$0x16400] =	vst v63  }
0x57: {  	_ =	swait.ge [sflag:s26], $0x4000  }
0x58: {  	[sflag:s26] =	ssyncset.done $0x0  }
.Ltmp0:
0x59: {  	s0 =	sadd.s32 $0xFFFFFF80, s2;
	[sflag:s26] =	ssyncadd.s32 $0xFFFFC000;
	(pc) =	sbr.rel @p0 .LBB2_2-.Ltmp0, $4  }
0x5a: {  	[tilespmem:s17], [sflag:$0x3] =	stream.indirect.gather [hbm4b:s1+s13], $0x80, s0, s13, $0xb8;
	[tilespmem:$0x16400] =	vst v63  }
0x5b: {  	_ =	swait.ge [sflag:s28], $0x4000  }
0x5c: {  	[sflag:s28] =	ssyncset.done $0x0  }
0x5d: {  	s2 =	sadd.s32 $0x200, s2;
	[sflag:s28] =	ssyncadd.s32 $0xFFFFC000  }
0x5e: {  	[tilespmem:s19], [sflag:$0x4] =	stream.indirect.gather [hbm4b:s1+s13], $0x80, s30, s13, $0xb8;
	[tilespmem:$0x16400] =	vst v63  }
0x5f: {  	_ =	swait.ge [sflag:s20], $0x4000  }
0x60: {  	[sflag:s20] =	ssyncset.done $0x0  }
0x61: {  	[sflag:s20] =	ssyncadd.s32 $0xFFFFC000  }
0x62: {  	[hbm4b:s5+s3] =	stream.linear.scatter [tilespmem:s14], [sflag:$0x5], $0x4000, $0x38;
	[tilespmem:$0x16400] =	vst v63  }
0x63: {  	_ =	swait.ge [sflag:s21], $0x4000  }
0x64: {  	[sflag:s21] =	ssyncset.done $0x0  }
0x65: {  	[sflag:s21] =	ssyncadd.s32 $0xFFFFC000  }
0x66: {  	[hbm4b:s6+s3] =	stream.linear.scatter [tilespmem:s15], [sflag:$0x6], $0x4000, $0x38;
	[tilespmem:$0x16400] =	vst v63  }
0x67: {  	_ =	swait.ge [sflag:s23], $0x4000  }
0x68: {  	[sflag:s23] =	ssyncset.done $0x0  }
0x69: {  	[sflag:s23] =	ssyncadd.s32 $0xFFFFC000  }
0x6a: {  	[hbm4b:s7+s3] =	stream.linear.scatter [tilespmem:s17], [sflag:$0x7], $0x4000, $0x38;
	[tilespmem:$0x16400] =	vst v63  }
0x6b: {  	_ =	swait.ge [sflag:s25], $0x4000  }
0x6c: {  	[sflag:s25] =	ssyncset.done $0x0  }
0x6d: {  	[sflag:s25] =	ssyncadd.s32 $0xFFFFC000  }
0x6e: {  	[hbm4b:s8+s3] =	stream.linear.scatter [tilespmem:s19], [sflag:$0x8], $0x4000, $0x38;
	[tilespmem:$0x16400] =	vst v63  }
0x6f: {  	_ =	swait.ge [sflag:s22], $0x4000  }
0x70: {  	[sflag:s22] =	ssyncset.done $0x0  }
0x71: {  	[sflag:s22] =	ssyncadd.s32 $0xFFFFC000  }
0x72: {  	_ =	swait.ge [sflag:s24], $0x4000  }
0x73: {  	[sflag:s24] =	ssyncset.done $0x0  }
0x74: {  	s29 =	sadd.s32 $0x1, s29;
	[sflag:s24] =	ssyncadd.s32 $0xFFFFC000  }
0x75: {  	p0 =	sne.s32 s29, s9;
	_ =	swait.ge [sflag:s26], $0x4000  }
.Ltmp1:
0x76: {  	[sflag:s26] =	ssyncset.done $0x0;
	(pc) =	sbr.rel @p0 .LBB2_1-.Ltmp1, $4  }
0x77: {  	[sflag:s26] =	ssyncadd.s32 $0xFFFFC000  }
0x78: {  	_ =	swait.ge [sflag:s28], $0x4000  }
0x79: {  	[sflag:s28] =	ssyncset.done $0x0  }
0x7a: {  	[sflag:s28] =	ssyncadd.s32 $0xFFFFC000  }
0x7b: {  	_ =	sfence.sel $0x180000  }
0x7c: {  	[bflag:$0x0] =	sbarrier.arrive $0xFFFF  }
0x7d: {  	_ =	strace $0x90000047  }
0x7e: {  	s0 =	stileid.u32;
	[bflag:$0x2] =	sbarrier.arrive $0xFFFF  }
0x7f: {  	p0 =	sne.s32 s0, $0x0;
	s0 =	rddreg [dreg:$0x3]  }
0x80: {  	s0 =	sadd.s32 @!p0 $0x100000, s0  }
0x81: {  	[sflag:s0] =	ssyncadd.tile.s32 @!p0 $0x1;
	_ =	shalt  }
.Lfunc_end2:
_tile_overlayer_lowered:
.L_overlay_start_2:
0x82: {  	(tag) =	ssettag $0x2  }
0x83: {  	s0 =	rddreg [dreg:$0x0];
	s2 =	stileid.u32  }
0x84: {  	s1 =	rddreg [dreg:$0x1];
	p0 =	sne.s32 s2, $0x0  }
0x85: {  	s3 =	rddreg [dreg:$0x2];
	[bflag:$0x3] =	sbarrier.arrive $0xFFFF;
	s2 =	simm.s32 @!p0 $0x1C09  }
0x86: {  	[timem:s3], [sflag:s2] =	dma.local @!p0 [hbm:s0], s1  }
0x87: {  	s0 =	simm.s32 @!p0 $0x9  }
0x88: {  	_ =	swait.ge @!p0 [sflag:s0], s1  }
0x89: {  	s1 =	ssub.s32 @!p0 $0x0, s1;
	[sflag:s0] =	ssyncset.done @!p0 $0x0  }
0x8a: {  	[sflag:s0] =	ssyncadd.s32 @!p0 s1  }
0x8b: {  	[bflag:$0x3] =	sbarrier.arrive $0xFFFF  }
0x8c: {  	_ =	shalt  }

</sc_bundles>
